<compile_context>
chip_gen: v7x
topology: tpu7x:2x2x1
jax: 0.10.2.dev20260603
libtpu: 0.0.44.dev20260713+nightly
codegen_flags: <defaults>
</compile_context>

<pallas_src>
import functools

import jax
import jax.numpy as jnp
from jax import lax
from jax.experimental import pallas as pl
from jax.experimental.pallas import tpu as pltpu
from jax.experimental.pallas import tpu_sc as plsc


_NC = 2
_NS = 16
_NW = _NC * _NS
_CH = 200
_NBUF = 4
_D = _NBUF // 2


def kernel(x):
    n, d = x.shape
    nch = n // _CH
    mesh = plsc.VectorSubcoreMesh(core_axis_name="c", subcore_axis_name="s")

    @functools.partial(
        pl.kernel,
        out_type=jax.ShapeDtypeStruct((n, d), x.dtype),
        mesh=mesh,
        scratch_types=[
            pltpu.VMEM((_NBUF, _CH, d), x.dtype),
            pltpu.SemaphoreType.DMA((_NBUF,)),
            pltpu.SemaphoreType.DMA((_NBUF,)),
        ],
    )
    def _copy(x_hbm, o_hbm, bufs, in_sems, out_sems):
        wid = lax.axis_index("s") * _NC + lax.axis_index("c")
        n_my = (nch - wid + _NW - 1) // _NW

        def in_cp(k):
            b = lax.rem(k, _NBUF)
            row = (wid + k * _NW) * _CH
            return pltpu.make_async_copy(
                x_hbm.at[pl.ds(row, _CH), :], bufs.at[b], in_sems.at[b]
            )

        def out_cp(k):
            b = lax.rem(k, _NBUF)
            row = (wid + k * _NW) * _CH
            return pltpu.make_async_copy(
                bufs.at[b], o_hbm.at[pl.ds(row, _CH), :], out_sems.at[b]
            )

        for k in range(_D):
            @pl.when(k < n_my)
            def _():
                in_cp(k).start()

        def step(k, carry):
            @pl.when(k - _D >= 0)
            def _():
                out_cp(k - _D).wait()

            @pl.when(k + _D < n_my)
            def _():
                in_cp(k + _D).start()

            in_cp(k).wait()

            @pl.when(jnp.logical_and(wid == 0, k == 0))
            def _():
                ones = jnp.ones((16,), x.dtype)
                for r in range(2):
                    for j in range(d // 16):
                        bufs[0, r, pl.ds(16 * j, 16)] = ones

            out_cp(k).start()
            return carry

        lax.fori_loop(0, n_my, step, 0)

        for j in range(_D):
            @pl.when(n_my - _D + j >= 0)
            def _():
                out_cp(n_my - _D + j).wait()

    return _copy(x)

# --- scband reference (transcript-rebuilt; emitter-appended) ---
"""Pipeline reference for scband-my-model-61933428412724 (READ-ONLY COPY).

The authoritative reference and input builder live on the scoring server;
editing this copy changes nothing except your own understanding.
"""

import jax, jax.numpy as jnp
import numpy as np

def setup_inputs(seed: int = 0) -> dict:
    key = jax.random.key(seed)
    x = jax.random.normal(key, (1000000, 64), dtype=jnp.float32)
    return {"x": x}

def reference(x):
    indices = jnp.arange(2)
    x = x.at[indices].set(1.0)
    return x

if __name__ == "__main__":
    import jax
    _d = setup_inputs()
    print(jax.jit(kernel)(*tuple(_d.values())))

</pallas_src>

<mosaic_0001>
#map = affine_map<(d0, d1) -> (0, 0)>
module attributes {stable_mosaic.version = 14 : i64} {
  func.func @_copy(%arg0: i32, %arg1: i32, %arg2: memref<1000000x64xf32, #tpu.memory_space<hbm>>, %arg3: memref<1000000x64xf32, #tpu.memory_space<hbm>>, %arg4: memref<4x200x64xf32, #tpu.memory_space<vmem>>, %arg5: memref<4x!tpu.dma_semaphore, #tpu.memory_space<semaphore_mem>>, %arg6: memref<4x!tpu.dma_semaphore, #tpu.memory_space<semaphore_mem>>) attributes {dimension_semantics = [#tpu.dimension_semantics<core_parallel>, #tpu.dimension_semantics<subcore_parallel>], iteration_bounds = array<i64: 2, 16>, scalar_prefetch = 0 : i64, scratch_operands = 3 : i64, tpu.core_type = #tpu.core_type<sc_vector_subcore>, window_params = [{transform_indices = #map}, {transform_indices = #map}]} {
    %mul3A = arith.constant 2 : i32
    %mul3A_0 = arith.muli %arg1, %mul3A : i32
    %add3A = arith.addi %mul3A_0, %arg0 : i32
    %sub3A = arith.constant 5000 : i32
    %sub3A_1 = arith.subi %sub3A, %add3A : i32
    %add3A_2 = arith.constant 32 : i32
    %add3A_3 = arith.addi %sub3A_1, %add3A_2 : i32
    %sub3A_4 = arith.constant 1 : i32
    %sub3A_5 = arith.subi %add3A_3, %sub3A_4 : i32
    %jit3A = arith.constant 32 : i32
    %div3A = arith.divsi %sub3A_5, %jit3A : i32
    %sign3A = arith.constant 0 : i32
    %sign3A_6 = arith.cmpi sgt, %sub3A_5, %sign3A : i32
    %sign3A_7 = arith.extui %sign3A_6 : i1 to i32
    %sign3A_8 = arith.constant 0 : i32
    %sign3A_9 = arith.cmpi slt, %sub3A_5, %sign3A_8 : i32
    %sign3A_10 = arith.extui %sign3A_9 : i1 to i32
    %sign3A_11 = arith.subi %sign3A_7, %sign3A_10 : i32
    %sign3A_12 = arith.constant 0 : i32
    %sign3A_13 = arith.cmpi sgt, %jit3A, %sign3A_12 : i32
    %sign3A_14 = arith.extui %sign3A_13 : i1 to i32
    %sign3A_15 = arith.constant 0 : i32
    %sign3A_16 = arith.cmpi slt, %jit3A, %sign3A_15 : i32
    %sign3A_17 = arith.extui %sign3A_16 : i1 to i32
    %sign3A_18 = arith.subi %sign3A_14, %sign3A_17 : i32
    %ne3A = arith.cmpi ne, %sign3A_11, %sign3A_18 : i32
    %rem3A = arith.remsi %sub3A_5, %jit3A : i32
    %ne3A_19 = arith.constant 0 : i32
    %ne3A_20 = arith.cmpi ne, %rem3A, %ne3A_19 : i32
    %and3A = arith.andi %ne3A, %ne3A_20 : i1
    %sub3A_21 = arith.constant 1 : i32
    %sub3A_22 = arith.subi %div3A, %sub3A_21 : i32
    %select_n3A = arith.select %and3A, %sub3A_22, %div3A : i32
    %gt3A = arith.constant 0 : i32
    %gt3A_23 = arith.cmpi sgt, %select_n3A, %gt3A : i32
    %convert_element_type3A = arith.extui %gt3A_23 : i1 to i32
    %cond3A = arith.constant 0 : i32
    %cond3A_24 = arith.cmpi ne, %convert_element_type3A, %cond3A : i32
    scf.if %cond3A_24 {
      %rem3A_56 = arith.constant 0 : i32
      %rem3A_57 = arith.constant 4 : i32
      %rem3A_58 = arith.remsi %rem3A_56, %rem3A_57 : i32
      %add3A_59 = arith.constant 0 : i32
      %add3A_60 = arith.addi %add3A, %add3A_59 : i32
      %mul3A_61 = arith.constant 200 : i32
      %mul3A_62 = arith.muli %add3A_60, %mul3A_61 : i32
      %dma_start3A = arith.constant 0 : i32
      %dma_start3A_63 = arith.constant 0 : i32
      %dma_start3A_64 = tpu.memref_slice %arg4[%rem3A_58, %dma_start3A, %dma_start3A_63] : memref<4x200x64xf32, #tpu.memory_space<vmem>> -> memref<1x200x64xf32, #tpu.memory_space<vmem>>
      %dma_start3A_65 = tpu.memref_squeeze %dma_start3A_64 : memref<1x200x64xf32, #tpu.memory_space<vmem>> -> memref<200x64xf32, #tpu.memory_space<vmem>>
      %dma_start3A_66 = arith.constant 0 : i32
      %dma_start3A_67 = tpu.memref_slice %arg2[%mul3A_62, %dma_start3A_66] : memref<1000000x64xf32, #tpu.memory_space<hbm>> -> memref<200x64xf32, #tpu.memory_space<hbm>>
      %dma_start3A_68 = tpu.memref_slice %arg5[%rem3A_58] : memref<4x!tpu.dma_semaphore, #tpu.memory_space<semaphore_mem>> -> memref<1x!tpu.dma_semaphore, #tpu.memory_space<semaphore_mem>>
      %dma_start3A_69 = tpu.memref_squeeze %dma_start3A_68 : memref<1x!tpu.dma_semaphore, #tpu.memory_space<semaphore_mem>> -> memref<!tpu.dma_semaphore, #tpu.memory_space<semaphore_mem>>
      %dma_start3A_70 = arith.constant 0 : i32
      %dma_start3A_71 = arith.constant 0 : i32
      %dma_start3A_72 = tpu.memref_slice %arg4[%rem3A_58, %dma_start3A_70, %dma_start3A_71] : memref<4x200x64xf32, #tpu.memory_space<vmem>> -> memref<1x200x64xf32, #tpu.memory_space<vmem>>
      %dma_start3A_73 = tpu.memref_squeeze %dma_start3A_72 : memref<1x200x64xf32, #tpu.memory_space<vmem>> -> memref<200x64xf32, #tpu.memory_space<vmem>>
      %dma_start3A_74 = arith.constant 0 : i32
      %dma_start3A_75 = tpu.memref_slice %arg2[%mul3A_62, %dma_start3A_74] : memref<1000000x64xf32, #tpu.memory_space<hbm>> -> memref<200x64xf32, #tpu.memory_space<hbm>>
      tpu.enqueue_dma source(%dma_start3A_75 : memref<200x64xf32, #tpu.memory_space<hbm>>) target(%dma_start3A_73 : memref<200x64xf32, #tpu.memory_space<vmem>>) target_semaphore(%dma_start3A_69 : memref<!tpu.dma_semaphore, #tpu.memory_space<semaphore_mem>>)
    } else {
    }
    %gt3A_25 = arith.constant 1 : i32
    %gt3A_26 = arith.cmpi sgt, %select_n3A, %gt3A_25 : i32
    %convert_element_type3A_27 = arith.extui %gt3A_26 : i1 to i32
    %cond3A_28 = arith.constant 0 : i32
    %cond3A_29 = arith.cmpi ne, %convert_element_type3A_27, %cond3A_28 : i32
    scf.if %cond3A_29 {
      %rem3A_56 = arith.constant 1 : i32
      %rem3A_57 = arith.constant 4 : i32
      %rem3A_58 = arith.remsi %rem3A_56, %rem3A_57 : i32
      %add3A_59 = arith.constant 32 : i32
      %add3A_60 = arith.addi %add3A, %add3A_59 : i32
      %mul3A_61 = arith.constant 200 : i32
      %mul3A_62 = arith.muli %add3A_60, %mul3A_61 : i32
      %dma_start3A = arith.constant 0 : i32
      %dma_start3A_63 = arith.constant 0 : i32
      %dma_start3A_64 = tpu.memref_slice %arg4[%rem3A_58, %dma_start3A, %dma_start3A_63] : memref<4x200x64xf32, #tpu.memory_space<vmem>> -> memref<1x200x64xf32, #tpu.memory_space<vmem>>
      %dma_start3A_65 = tpu.memref_squeeze %dma_start3A_64 : memref<1x200x64xf32, #tpu.memory_space<vmem>> -> memref<200x64xf32, #tpu.memory_space<vmem>>
      %dma_start3A_66 = arith.constant 0 : i32
      %dma_start3A_67 = tpu.memref_slice %arg2[%mul3A_62, %dma_start3A_66] : memref<1000000x64xf32, #tpu.memory_space<hbm>> -> memref<200x64xf32, #tpu.memory_space<hbm>>
      %dma_start3A_68 = tpu.memref_slice %arg5[%rem3A_58] : memref<4x!tpu.dma_semaphore, #tpu.memory_space<semaphore_mem>> -> memref<1x!tpu.dma_semaphore, #tpu.memory_space<semaphore_mem>>
      %dma_start3A_69 = tpu.memref_squeeze %dma_start3A_68 : memref<1x!tpu.dma_semaphore, #tpu.memory_space<semaphore_mem>> -> memref<!tpu.dma_semaphore, #tpu.memory_space<semaphore_mem>>
      %dma_start3A_70 = arith.constant 0 : i32
      %dma_start3A_71 = arith.constant 0 : i32
      %dma_start3A_72 = tpu.memref_slice %arg4[%rem3A_58, %dma_start3A_70, %dma_start3A_71] : memref<4x200x64xf32, #tpu.memory_space<vmem>> -> memref<1x200x64xf32, #tpu.memory_space<vmem>>
      %dma_start3A_73 = tpu.memref_squeeze %dma_start3A_72 : memref<1x200x64xf32, #tpu.memory_space<vmem>> -> memref<200x64xf32, #tpu.memory_space<vmem>>
      %dma_start3A_74 = arith.constant 0 : i32
      %dma_start3A_75 = tpu.memref_slice %arg2[%mul3A_62, %dma_start3A_74] : memref<1000000x64xf32, #tpu.memory_space<hbm>> -> memref<200x64xf32, #tpu.memory_space<hbm>>
      tpu.enqueue_dma source(%dma_start3A_75 : memref<200x64xf32, #tpu.memory_space<hbm>>) target(%dma_start3A_73 : memref<200x64xf32, #tpu.memory_space<vmem>>) target_semaphore(%dma_start3A_69 : memref<!tpu.dma_semaphore, #tpu.memory_space<semaphore_mem>>)
    } else {
    }
    %while3A = arith.constant 0 : i32
    %while3A_30 = arith.constant 0 : i32
    %while3A_31 = arith.subi %select_n3A, %while3A_30 : i32
    %while3A_32 = arith.addi %while3A_30, %while3A_31 : i32
    %while3A_33 = arith.constant 1 : i32
    %while3A_34 = arith.divsi %while3A_31, %while3A_33 : i32
    %while3A_35 = arith.muli %while3A_34, %while3A_33 : i32
    %while3A_36 = arith.addi %while3A_30, %while3A_35 : i32
    %while3A_37 = arith.constant 1 : i32
    scf.for %while3A_56 = %while3A_30 to %while3A_36 step %while3A_37  : i32 {
      %sub3A_57 = arith.constant 2 : i32
      %sub3A_58 = arith.subi %while3A_56, %sub3A_57 : i32
      %ge3A_59 = arith.constant 0 : i32
      %ge3A_60 = arith.cmpi sge, %sub3A_58, %ge3A_59 : i32
      %convert_element_type3A_61 = arith.extui %ge3A_60 : i1 to i32
      %cond3A_62 = arith.constant 0 : i32
      %cond3A_63 = arith.cmpi ne, %convert_element_type3A_61, %cond3A_62 : i32
      scf.if %cond3A_63 {
        %sub3A_116 = arith.constant 2 : i32
        %sub3A_117 = arith.subi %while3A_56, %sub3A_116 : i32
        %rem3A_118 = arith.constant 4 : i32
        %rem3A_119 = arith.remsi %sub3A_117, %rem3A_118 : i32
        %mul3A_120 = arith.constant 32 : i32
        %mul3A_121 = arith.muli %sub3A_117, %mul3A_120 : i32
        %add3A_122 = arith.addi %add3A, %mul3A_121 : i32
        %mul3A_123 = arith.constant 200 : i32
        %mul3A_124 = arith.muli %add3A_122, %mul3A_123 : i32
        %dma_wait3A_125 = arith.constant 0 : i32
        %dma_wait3A_126 = arith.constant 0 : i32
        %dma_wait3A_127 = tpu.memref_slice %arg4[%rem3A_119, %dma_wait3A_125, %dma_wait3A_126] : memref<4x200x64xf32, #tpu.memory_space<vmem>> -> memref<1x200x64xf32, #tpu.memory_space<vmem>>
        %dma_wait3A_128 = tpu.memref_squeeze %dma_wait3A_127 : memref<1x200x64xf32, #tpu.memory_space<vmem>> -> memref<200x64xf32, #tpu.memory_space<vmem>>
        %dma_wait3A_129 = arith.constant 0 : i32
        %dma_wait3A_130 = tpu.memref_slice %arg3[%mul3A_124, %dma_wait3A_129] : memref<1000000x64xf32, #tpu.memory_space<hbm>> -> memref<200x64xf32, #tpu.memory_space<hbm>>
        %dma_wait3A_131 = tpu.memref_slice %arg6[%rem3A_119] : memref<4x!tpu.dma_semaphore, #tpu.memory_space<semaphore_mem>> -> memref<1x!tpu.dma_semaphore, #tpu.memory_space<semaphore_mem>>
        %dma_wait3A_132 = tpu.memref_squeeze %dma_wait3A_131 : memref<1x!tpu.dma_semaphore, #tpu.memory_space<semaphore_mem>> -> memref<!tpu.dma_semaphore, #tpu.memory_space<semaphore_mem>>
        %dma_wait3A_133 = arith.constant 0 : i32
        %dma_wait3A_134 = tpu.memref_slice %arg3[%mul3A_124, %dma_wait3A_133] : memref<1000000x64xf32, #tpu.memory_space<hbm>> -> memref<200x64xf32, #tpu.memory_space<hbm>>
        %dma_wait3A_135 = arith.constant 0 : i32
        %dma_wait3A_136 = arith.constant 0 : i32
        %dma_wait3A_137 = tpu.memref_slice %arg4[%rem3A_119, %dma_wait3A_135, %dma_wait3A_136] : memref<4x200x64xf32, #tpu.memory_space<vmem>> -> memref<1x200x64xf32, #tpu.memory_space<vmem>>
        %dma_wait3A_138 = tpu.memref_squeeze %dma_wait3A_137 : memref<1x200x64xf32, #tpu.memory_space<vmem>> -> memref<200x64xf32, #tpu.memory_space<vmem>>
        tpu.wait_dma2 semaphore(%dma_wait3A_132 : memref<!tpu.dma_semaphore, #tpu.memory_space<semaphore_mem>>) src(%dma_wait3A_138 : memref<200x64xf32, #tpu.memory_space<vmem>>) dst(%dma_wait3A_134 : memref<200x64xf32, #tpu.memory_space<hbm>>)
      } else {
      }
      %add3A_64 = arith.constant 2 : i32
      %add3A_65 = arith.addi %while3A_56, %add3A_64 : i32
      %lt3A = arith.cmpi slt, %add3A_65, %select_n3A : i32
      %convert_element_type3A_66 = arith.extui %lt3A : i1 to i32
      %cond3A_67 = arith.constant 0 : i32
      %cond3A_68 = arith.cmpi ne, %convert_element_type3A_66, %cond3A_67 : i32
      scf.if %cond3A_68 {
        %add3A_116 = arith.constant 2 : i32
        %add3A_117 = arith.addi %while3A_56, %add3A_116 : i32
        %rem3A_118 = arith.constant 4 : i32
        %rem3A_119 = arith.remsi %add3A_117, %rem3A_118 : i32
        %mul3A_120 = arith.constant 32 : i32
        %mul3A_121 = arith.muli %add3A_117, %mul3A_120 : i32
        %add3A_122 = arith.addi %add3A, %mul3A_121 : i32
        %mul3A_123 = arith.constant 200 : i32
        %mul3A_124 = arith.muli %add3A_122, %mul3A_123 : i32
        %dma_start3A_125 = arith.constant 0 : i32
        %dma_start3A_126 = arith.constant 0 : i32
        %dma_start3A_127 = tpu.memref_slice %arg4[%rem3A_119, %dma_start3A_125, %dma_start3A_126] : memref<4x200x64xf32, #tpu.memory_space<vmem>> -> memref<1x200x64xf32, #tpu.memory_space<vmem>>
        %dma_start3A_128 = tpu.memref_squeeze %dma_start3A_127 : memref<1x200x64xf32, #tpu.memory_space<vmem>> -> memref<200x64xf32, #tpu.memory_space<vmem>>
        %dma_start3A_129 = arith.constant 0 : i32
        %dma_start3A_130 = tpu.memref_slice %arg2[%mul3A_124, %dma_start3A_129] : memref<1000000x64xf32, #tpu.memory_space<hbm>> -> memref<200x64xf32, #tpu.memory_space<hbm>>
        %dma_start3A_131 = tpu.memref_slice %arg5[%rem3A_119] : memref<4x!tpu.dma_semaphore, #tpu.memory_space<semaphore_mem>> -> memref<1x!tpu.dma_semaphore, #tpu.memory_space<semaphore_mem>>
        %dma_start3A_132 = tpu.memref_squeeze %dma_start3A_131 : memref<1x!tpu.dma_semaphore, #tpu.memory_space<semaphore_mem>> -> memref<!tpu.dma_semaphore, #tpu.memory_space<semaphore_mem>>
        %dma_start3A_133 = arith.constant 0 : i32
        %dma_start3A_134 = arith.constant 0 : i32
        %dma_start3A_135 = tpu.memref_slice %arg4[%rem3A_119, %dma_start3A_133, %dma_start3A_134] : memref<4x200x64xf32, #tpu.memory_space<vmem>> -> memref<1x200x64xf32, #tpu.memory_space<vmem>>
        %dma_start3A_136 = tpu.memref_squeeze %dma_start3A_135 : memref<1x200x64xf32, #tpu.memory_space<vmem>> -> memref<200x64xf32, #tpu.memory_space<vmem>>
        %dma_start3A_137 = arith.constant 0 : i32
        %dma_start3A_138 = tpu.memref_slice %arg2[%mul3A_124, %dma_start3A_137] : memref<1000000x64xf32, #tpu.memory_space<hbm>> -> memref<200x64xf32, #tpu.memory_space<hbm>>
        tpu.enqueue_dma source(%dma_start3A_138 : memref<200x64xf32, #tpu.memory_space<hbm>>) target(%dma_start3A_136 : memref<200x64xf32, #tpu.memory_space<vmem>>) target_semaphore(%dma_start3A_132 : memref<!tpu.dma_semaphore, #tpu.memory_space<semaphore_mem>>)
      } else {
      }
      %rem3A_69 = arith.constant 4 : i32
      %rem3A_70 = arith.remsi %while3A_56, %rem3A_69 : i32
      %mul3A_71 = arith.constant 32 : i32
      %mul3A_72 = arith.muli %while3A_56, %mul3A_71 : i32
      %add3A_73 = arith.addi %add3A, %mul3A_72 : i32
      %mul3A_74 = arith.constant 200 : i32
      %mul3A_75 = arith.muli %add3A_73, %mul3A_74 : i32
      %dma_wait3A = arith.constant 0 : i32
      %dma_wait3A_76 = arith.constant 0 : i32
      %dma_wait3A_77 = tpu.memref_slice %arg4[%rem3A_70, %dma_wait3A, %dma_wait3A_76] : memref<4x200x64xf32, #tpu.memory_space<vmem>> -> memref<1x200x64xf32, #tpu.memory_space<vmem>>
      %dma_wait3A_78 = tpu.memref_squeeze %dma_wait3A_77 : memref<1x200x64xf32, #tpu.memory_space<vmem>> -> memref<200x64xf32, #tpu.memory_space<vmem>>
      %dma_wait3A_79 = arith.constant 0 : i32
      %dma_wait3A_80 = tpu.memref_slice %arg2[%mul3A_75, %dma_wait3A_79] : memref<1000000x64xf32, #tpu.memory_space<hbm>> -> memref<200x64xf32, #tpu.memory_space<hbm>>
      %dma_wait3A_81 = tpu.memref_slice %arg5[%rem3A_70] : memref<4x!tpu.dma_semaphore, #tpu.memory_space<semaphore_mem>> -> memref<1x!tpu.dma_semaphore, #tpu.memory_space<semaphore_mem>>
      %dma_wait3A_82 = tpu.memref_squeeze %dma_wait3A_81 : memref<1x!tpu.dma_semaphore, #tpu.memory_space<semaphore_mem>> -> memref<!tpu.dma_semaphore, #tpu.memory_space<semaphore_mem>>
      %dma_wait3A_83 = arith.constant 0 : i32
      %dma_wait3A_84 = arith.constant 0 : i32
      %dma_wait3A_85 = tpu.memref_slice %arg4[%rem3A_70, %dma_wait3A_83, %dma_wait3A_84] : memref<4x200x64xf32, #tpu.memory_space<vmem>> -> memref<1x200x64xf32, #tpu.memory_space<vmem>>
      %dma_wait3A_86 = tpu.memref_squeeze %dma_wait3A_85 : memref<1x200x64xf32, #tpu.memory_space<vmem>> -> memref<200x64xf32, #tpu.memory_space<vmem>>
      %dma_wait3A_87 = arith.constant 0 : i32
      %dma_wait3A_88 = tpu.memref_slice %arg2[%mul3A_75, %dma_wait3A_87] : memref<1000000x64xf32, #tpu.memory_space<hbm>> -> memref<200x64xf32, #tpu.memory_space<hbm>>
      tpu.wait_dma2 semaphore(%dma_wait3A_82 : memref<!tpu.dma_semaphore, #tpu.memory_space<semaphore_mem>>) src(%dma_wait3A_88 : memref<200x64xf32, #tpu.memory_space<hbm>>) dst(%dma_wait3A_86 : memref<200x64xf32, #tpu.memory_space<vmem>>)
      %eq3A = arith.constant 0 : i32
      %eq3A_89 = arith.cmpi eq, %add3A, %eq3A : i32
      %eq3A_90 = arith.constant 0 : i32
      %eq3A_91 = arith.cmpi eq, %while3A_56, %eq3A_90 : i32
      %and3A_92 = arith.andi %eq3A_89, %eq3A_91 : i1
      %convert_element_type3A_93 = arith.extui %and3A_92 : i1 to i32
      %cond3A_94 = arith.constant 0 : i32
      %cond3A_95 = arith.cmpi ne, %convert_element_type3A_93, %cond3A_94 : i32
      scf.if %cond3A_95 {
        %broadcast_in_dim3A = arith.constant 1.000000e+00 : f32
        %broadcast_in_dim3A_116 = vector.broadcast %broadcast_in_dim3A : f32 to vector<16xf32>
        %swap3A = arith.constant 0 : i32
        %swap3A_117 = arith.constant 0 : i32
        %swap3A_118 = arith.index_cast %swap3A : i32 to index
        %swap3A_119 = arith.index_cast %swap3A_117 : i32 to index
        %swap3A_120 = arith.constant 0 : index
        %swap3A_121 = tpu.vector_load %arg4[%swap3A_118, %swap3A_119, %swap3A_120] {strides = array<i32>} : memref<4x200x64xf32, #tpu.memory_space<vmem>>, vector<1x1x16xf32>,
        %swap3A_122 = vector.shape_cast %swap3A_121 : vector<1x1x16xf32> to vector<16xf32>
        %swap3A_123 = vector.shape_cast %broadcast_in_dim3A_116 : vector<16xf32> to vector<1x1x16xf32>
        tpu.vector_store %arg4[%swap3A_118, %swap3A_119, %swap3A_120], %swap3A_123 {strides = array<i32>} : memref<4x200x64xf32, #tpu.memory_space<vmem>>, vector<1x1x16xf32>,
        %swap3A_124 = arith.constant 0 : i32
        %swap3A_125 = arith.constant 0 : i32
        %swap3A_126 = arith.index_cast %swap3A_124 : i32 to index
        %swap3A_127 = arith.index_cast %swap3A_125 : i32 to index
        %swap3A_128 = arith.constant 16 : index
        %swap3A_129 = tpu.vector_load %arg4[%swap3A_126, %swap3A_127, %swap3A_128] {strides = array<i32>} : memref<4x200x64xf32, #tpu.memory_space<vmem>>, vector<1x1x16xf32>,
        %swap3A_130 = vector.shape_cast %swap3A_129 : vector<1x1x16xf32> to vector<16xf32>
        %swap3A_131 = vector.shape_cast %broadcast_in_dim3A_116 : vector<16xf32> to vector<1x1x16xf32>
        tpu.vector_store %arg4[%swap3A_126, %swap3A_127, %swap3A_128], %swap3A_131 {strides = array<i32>} : memref<4x200x64xf32, #tpu.memory_space<vmem>>, vector<1x1x16xf32>,
        %swap3A_132 = arith.constant 0 : i32
        %swap3A_133 = arith.constant 0 : i32
        %swap3A_134 = arith.index_cast %swap3A_132 : i32 to index
        %swap3A_135 = arith.index_cast %swap3A_133 : i32 to index
        %swap3A_136 = arith.constant 32 : index
        %swap3A_137 = tpu.vector_load %arg4[%swap3A_134, %swap3A_135, %swap3A_136] {strides = array<i32>} : memref<4x200x64xf32, #tpu.memory_space<vmem>>, vector<1x1x16xf32>,
        %swap3A_138 = vector.shape_cast %swap3A_137 : vector<1x1x16xf32> to vector<16xf32>
        %swap3A_139 = vector.shape_cast %broadcast_in_dim3A_116 : vector<16xf32> to vector<1x1x16xf32>
        tpu.vector_store %arg4[%swap3A_134, %swap3A_135, %swap3A_136], %swap3A_139 {strides = array<i32>} : memref<4x200x64xf32, #tpu.memory_space<vmem>>, vector<1x1x16xf32>,
        %swap3A_140 = arith.constant 0 : i32
        %swap3A_141 = arith.constant 0 : i32
        %swap3A_142 = arith.index_cast %swap3A_140 : i32 to index
        %swap3A_143 = arith.index_cast %swap3A_141 : i32 to index
        %swap3A_144 = arith.constant 48 : index
        %swap3A_145 = tpu.vector_load %arg4[%swap3A_142, %swap3A_143, %swap3A_144] {strides = array<i32>} : memref<4x200x64xf32, #tpu.memory_space<vmem>>, vector<1x1x16xf32>,
        %swap3A_146 = vector.shape_cast %swap3A_145 : vector<1x1x16xf32> to vector<16xf32>
        %swap3A_147 = vector.shape_cast %broadcast_in_dim3A_116 : vector<16xf32> to vector<1x1x16xf32>
        tpu.vector_store %arg4[%swap3A_142, %swap3A_143, %swap3A_144], %swap3A_147 {strides = array<i32>} : memref<4x200x64xf32, #tpu.memory_space<vmem>>, vector<1x1x16xf32>,
        %swap3A_148 = arith.constant 0 : i32
        %swap3A_149 = arith.constant 1 : i32
        %swap3A_150 = arith.index_cast %swap3A_148 : i32 to index
        %swap3A_151 = arith.index_cast %swap3A_149 : i32 to index
        %swap3A_152 = arith.constant 0 : index
        %swap3A_153 = tpu.vector_load %arg4[%swap3A_150, %swap3A_151, %swap3A_152] {strides = array<i32>} : memref<4x200x64xf32, #tpu.memory_space<vmem>>, vector<1x1x16xf32>,
        %swap3A_154 = vector.shape_cast %swap3A_153 : vector<1x1x16xf32> to vector<16xf32>
        %swap3A_155 = vector.shape_cast %broadcast_in_dim3A_116 : vector<16xf32> to vector<1x1x16xf32>
        tpu.vector_store %arg4[%swap3A_150, %swap3A_151, %swap3A_152], %swap3A_155 {strides = array<i32>} : memref<4x200x64xf32, #tpu.memory_space<vmem>>, vector<1x1x16xf32>,
        %swap3A_156 = arith.constant 0 : i32
        %swap3A_157 = arith.constant 1 : i32
        %swap3A_158 = arith.index_cast %swap3A_156 : i32 to index
        %swap3A_159 = arith.index_cast %swap3A_157 : i32 to index
        %swap3A_160 = arith.constant 16 : index
        %swap3A_161 = tpu.vector_load %arg4[%swap3A_158, %swap3A_159, %swap3A_160] {strides = array<i32>} : memref<4x200x64xf32, #tpu.memory_space<vmem>>, vector<1x1x16xf32>,
        %swap3A_162 = vector.shape_cast %swap3A_161 : vector<1x1x16xf32> to vector<16xf32>
        %swap3A_163 = vector.shape_cast %broadcast_in_dim3A_116 : vector<16xf32> to vector<1x1x16xf32>
        tpu.vector_store %arg4[%swap3A_158, %swap3A_159, %swap3A_160], %swap3A_163 {strides = array<i32>} : memref<4x200x64xf32, #tpu.memory_space<vmem>>, vector<1x1x16xf32>,
        %swap3A_164 = arith.constant 0 : i32
        %swap3A_165 = arith.constant 1 : i32
        %swap3A_166 = arith.index_cast %swap3A_164 : i32 to index
        %swap3A_167 = arith.index_cast %swap3A_165 : i32 to index
        %swap3A_168 = arith.constant 32 : index
        %swap3A_169 = tpu.vector_load %arg4[%swap3A_166, %swap3A_167, %swap3A_168] {strides = array<i32>} : memref<4x200x64xf32, #tpu.memory_space<vmem>>, vector<1x1x16xf32>,
        %swap3A_170 = vector.shape_cast %swap3A_169 : vector<1x1x16xf32> to vector<16xf32>
        %swap3A_171 = vector.shape_cast %broadcast_in_dim3A_116 : vector<16xf32> to vector<1x1x16xf32>
        tpu.vector_store %arg4[%swap3A_166, %swap3A_167, %swap3A_168], %swap3A_171 {strides = array<i32>} : memref<4x200x64xf32, #tpu.memory_space<vmem>>, vector<1x1x16xf32>,
        %swap3A_172 = arith.constant 0 : i32
        %swap3A_173 = arith.constant 1 : i32
        %swap3A_174 = arith.index_cast %swap3A_172 : i32 to index
        %swap3A_175 = arith.index_cast %swap3A_173 : i32 to index
        %swap3A_176 = arith.constant 48 : index
        %swap3A_177 = tpu.vector_load %arg4[%swap3A_174, %swap3A_175, %swap3A_176] {strides = array<i32>} : memref<4x200x64xf32, #tpu.memory_space<vmem>>, vector<1x1x16xf32>,
        %swap3A_178 = vector.shape_cast %swap3A_177 : vector<1x1x16xf32> to vector<16xf32>
        %swap3A_179 = vector.shape_cast %broadcast_in_dim3A_116 : vector<16xf32> to vector<1x1x16xf32>
        tpu.vector_store %arg4[%swap3A_174, %swap3A_175, %swap3A_176], %swap3A_179 {strides = array<i32>} : memref<4x200x64xf32, #tpu.memory_space<vmem>>, vector<1x1x16xf32>,
      } else {
      }
      %rem3A_96 = arith.constant 4 : i32
      %rem3A_97 = arith.remsi %while3A_56, %rem3A_96 : i32
      %mul3A_98 = arith.constant 32 : i32
      %mul3A_99 = arith.muli %while3A_56, %mul3A_98 : i32
      %add3A_100 = arith.addi %add3A, %mul3A_99 : i32
      %mul3A_101 = arith.constant 200 : i32
      %mul3A_102 = arith.muli %add3A_100, %mul3A_101 : i32
      %dma_start3A = arith.constant 0 : i32
      %dma_start3A_103 = arith.constant 0 : i32
      %dma_start3A_104 = tpu.memref_slice %arg4[%rem3A_97, %dma_start3A, %dma_start3A_103] : memref<4x200x64xf32, #tpu.memory_space<vmem>> -> memref<1x200x64xf32, #tpu.memory_space<vmem>>
      %dma_start3A_105 = tpu.memref_squeeze %dma_start3A_104 : memref<1x200x64xf32, #tpu.memory_space<vmem>> -> memref<200x64xf32, #tpu.memory_space<vmem>>
      %dma_start3A_106 = arith.constant 0 : i32
      %dma_start3A_107 = tpu.memref_slice %arg3[%mul3A_102, %dma_start3A_106] : memref<1000000x64xf32, #tpu.memory_space<hbm>> -> memref<200x64xf32, #tpu.memory_space<hbm>>
      %dma_start3A_108 = tpu.memref_slice %arg6[%rem3A_97] : memref<4x!tpu.dma_semaphore, #tpu.memory_space<semaphore_mem>> -> memref<1x!tpu.dma_semaphore, #tpu.memory_space<semaphore_mem>>
      %dma_start3A_109 = tpu.memref_squeeze %dma_start3A_108 : memref<1x!tpu.dma_semaphore, #tpu.memory_space<semaphore_mem>> -> memref<!tpu.dma_semaphore, #tpu.memory_space<semaphore_mem>>
      %dma_start3A_110 = arith.constant 0 : i32
      %dma_start3A_111 = tpu.memref_slice %arg3[%mul3A_102, %dma_start3A_110] : memref<1000000x64xf32, #tpu.memory_space<hbm>> -> memref<200x64xf32, #tpu.memory_space<hbm>>
      %dma_start3A_112 = arith.constant 0 : i32
      %dma_start3A_113 = arith.constant 0 : i32
      %dma_start3A_114 = tpu.memref_slice %arg4[%rem3A_97, %dma_start3A_112, %dma_start3A_113] : memref<4x200x64xf32, #tpu.memory_space<vmem>> -> memref<1x200x64xf32, #tpu.memory_space<vmem>>
      %dma_start3A_115 = tpu.memref_squeeze %dma_start3A_114 : memref<1x200x64xf32, #tpu.memory_space<vmem>> -> memref<200x64xf32, #tpu.memory_space<vmem>>
      tpu.enqueue_dma source(%dma_start3A_115 : memref<200x64xf32, #tpu.memory_space<vmem>>) target(%dma_start3A_111 : memref<200x64xf32, #tpu.memory_space<hbm>>) target_semaphore(%dma_start3A_109 : memref<!tpu.dma_semaphore, #tpu.memory_space<semaphore_mem>>)
    }
    %while3A_38 = arith.constant 1 : i32
    scf.for %while3A_56 = %while3A_36 to %while3A_32 step %while3A_38  : i32 {
      %sub3A_57 = arith.constant 2 : i32
      %sub3A_58 = arith.subi %while3A_56, %sub3A_57 : i32
      %ge3A_59 = arith.constant 0 : i32
      %ge3A_60 = arith.cmpi sge, %sub3A_58, %ge3A_59 : i32
      %convert_element_type3A_61 = arith.extui %ge3A_60 : i1 to i32
      %cond3A_62 = arith.constant 0 : i32
      %cond3A_63 = arith.cmpi ne, %convert_element_type3A_61, %cond3A_62 : i32
      scf.if %cond3A_63 {
        %sub3A_116 = arith.constant 2 : i32
        %sub3A_117 = arith.subi %while3A_56, %sub3A_116 : i32
        %rem3A_118 = arith.constant 4 : i32
        %rem3A_119 = arith.remsi %sub3A_117, %rem3A_118 : i32
        %mul3A_120 = arith.constant 32 : i32
        %mul3A_121 = arith.muli %sub3A_117, %mul3A_120 : i32
        %add3A_122 = arith.addi %add3A, %mul3A_121 : i32
        %mul3A_123 = arith.constant 200 : i32
        %mul3A_124 = arith.muli %add3A_122, %mul3A_123 : i32
        %dma_wait3A_125 = arith.constant 0 : i32
        %dma_wait3A_126 = arith.constant 0 : i32
        %dma_wait3A_127 = tpu.memref_slice %arg4[%rem3A_119, %dma_wait3A_125, %dma_wait3A_126] : memref<4x200x64xf32, #tpu.memory_space<vmem>> -> memref<1x200x64xf32, #tpu.memory_space<vmem>>
        %dma_wait3A_128 = tpu.memref_squeeze %dma_wait3A_127 : memref<1x200x64xf32, #tpu.memory_space<vmem>> -> memref<200x64xf32, #tpu.memory_space<vmem>>
        %dma_wait3A_129 = arith.constant 0 : i32
        %dma_wait3A_130 = tpu.memref_slice %arg3[%mul3A_124, %dma_wait3A_129] : memref<1000000x64xf32, #tpu.memory_space<hbm>> -> memref<200x64xf32, #tpu.memory_space<hbm>>
        %dma_wait3A_131 = tpu.memref_slice %arg6[%rem3A_119] : memref<4x!tpu.dma_semaphore, #tpu.memory_space<semaphore_mem>> -> memref<1x!tpu.dma_semaphore, #tpu.memory_space<semaphore_mem>>
        %dma_wait3A_132 = tpu.memref_squeeze %dma_wait3A_131 : memref<1x!tpu.dma_semaphore, #tpu.memory_space<semaphore_mem>> -> memref<!tpu.dma_semaphore, #tpu.memory_space<semaphore_mem>>
        %dma_wait3A_133 = arith.constant 0 : i32
        %dma_wait3A_134 = tpu.memref_slice %arg3[%mul3A_124, %dma_wait3A_133] : memref<1000000x64xf32, #tpu.memory_space<hbm>> -> memref<200x64xf32, #tpu.memory_space<hbm>>
        %dma_wait3A_135 = arith.constant 0 : i32
        %dma_wait3A_136 = arith.constant 0 : i32
        %dma_wait3A_137 = tpu.memref_slice %arg4[%rem3A_119, %dma_wait3A_135, %dma_wait3A_136] : memref<4x200x64xf32, #tpu.memory_space<vmem>> -> memref<1x200x64xf32, #tpu.memory_space<vmem>>
        %dma_wait3A_138 = tpu.memref_squeeze %dma_wait3A_137 : memref<1x200x64xf32, #tpu.memory_space<vmem>> -> memref<200x64xf32, #tpu.memory_space<vmem>>
        tpu.wait_dma2 semaphore(%dma_wait3A_132 : memref<!tpu.dma_semaphore, #tpu.memory_space<semaphore_mem>>) src(%dma_wait3A_138 : memref<200x64xf32, #tpu.memory_space<vmem>>) dst(%dma_wait3A_134 : memref<200x64xf32, #tpu.memory_space<hbm>>)
      } else {
      }
      %add3A_64 = arith.constant 2 : i32
      %add3A_65 = arith.addi %while3A_56, %add3A_64 : i32
      %lt3A = arith.cmpi slt, %add3A_65, %select_n3A : i32
      %convert_element_type3A_66 = arith.extui %lt3A : i1 to i32
      %cond3A_67 = arith.constant 0 : i32
      %cond3A_68 = arith.cmpi ne, %convert_element_type3A_66, %cond3A_67 : i32
      scf.if %cond3A_68 {
        %add3A_116 = arith.constant 2 : i32
        %add3A_117 = arith.addi %while3A_56, %add3A_116 : i32
        %rem3A_118 = arith.constant 4 : i32
        %rem3A_119 = arith.remsi %add3A_117, %rem3A_118 : i32
        %mul3A_120 = arith.constant 32 : i32
        %mul3A_121 = arith.muli %add3A_117, %mul3A_120 : i32
        %add3A_122 = arith.addi %add3A, %mul3A_121 : i32
        %mul3A_123 = arith.constant 200 : i32
        %mul3A_124 = arith.muli %add3A_122, %mul3A_123 : i32
        %dma_start3A_125 = arith.constant 0 : i32
        %dma_start3A_126 = arith.constant 0 : i32
        %dma_start3A_127 = tpu.memref_slice %arg4[%rem3A_119, %dma_start3A_125, %dma_start3A_126] : memref<4x200x64xf32, #tpu.memory_space<vmem>> -> memref<1x200x64xf32, #tpu.memory_space<vmem>>
        %dma_start3A_128 = tpu.memref_squeeze %dma_start3A_127 : memref<1x200x64xf32, #tpu.memory_space<vmem>> -> memref<200x64xf32, #tpu.memory_space<vmem>>
        %dma_start3A_129 = arith.constant 0 : i32
        %dma_start3A_130 = tpu.memref_slice %arg2[%mul3A_124, %dma_start3A_129] : memref<1000000x64xf32, #tpu.memory_space<hbm>> -> memref<200x64xf32, #tpu.memory_space<hbm>>
        %dma_start3A_131 = tpu.memref_slice %arg5[%rem3A_119] : memref<4x!tpu.dma_semaphore, #tpu.memory_space<semaphore_mem>> -> memref<1x!tpu.dma_semaphore, #tpu.memory_space<semaphore_mem>>
        %dma_start3A_132 = tpu.memref_squeeze %dma_start3A_131 : memref<1x!tpu.dma_semaphore, #tpu.memory_space<semaphore_mem>> -> memref<!tpu.dma_semaphore, #tpu.memory_space<semaphore_mem>>
        %dma_start3A_133 = arith.constant 0 : i32
        %dma_start3A_134 = arith.constant 0 : i32
        %dma_start3A_135 = tpu.memref_slice %arg4[%rem3A_119, %dma_start3A_133, %dma_start3A_134] : memref<4x200x64xf32, #tpu.memory_space<vmem>> -> memref<1x200x64xf32, #tpu.memory_space<vmem>>
        %dma_start3A_136 = tpu.memref_squeeze %dma_start3A_135 : memref<1x200x64xf32, #tpu.memory_space<vmem>> -> memref<200x64xf32, #tpu.memory_space<vmem>>
        %dma_start3A_137 = arith.constant 0 : i32
        %dma_start3A_138 = tpu.memref_slice %arg2[%mul3A_124, %dma_start3A_137] : memref<1000000x64xf32, #tpu.memory_space<hbm>> -> memref<200x64xf32, #tpu.memory_space<hbm>>
        tpu.enqueue_dma source(%dma_start3A_138 : memref<200x64xf32, #tpu.memory_space<hbm>>) target(%dma_start3A_136 : memref<200x64xf32, #tpu.memory_space<vmem>>) target_semaphore(%dma_start3A_132 : memref<!tpu.dma_semaphore, #tpu.memory_space<semaphore_mem>>)
      } else {
      }
      %rem3A_69 = arith.constant 4 : i32
      %rem3A_70 = arith.remsi %while3A_56, %rem3A_69 : i32
      %mul3A_71 = arith.constant 32 : i32
      %mul3A_72 = arith.muli %while3A_56, %mul3A_71 : i32
      %add3A_73 = arith.addi %add3A, %mul3A_72 : i32
      %mul3A_74 = arith.constant 200 : i32
      %mul3A_75 = arith.muli %add3A_73, %mul3A_74 : i32
      %dma_wait3A = arith.constant 0 : i32
      %dma_wait3A_76 = arith.constant 0 : i32
      %dma_wait3A_77 = tpu.memref_slice %arg4[%rem3A_70, %dma_wait3A, %dma_wait3A_76] : memref<4x200x64xf32, #tpu.memory_space<vmem>> -> memref<1x200x64xf32, #tpu.memory_space<vmem>>
      %dma_wait3A_78 = tpu.memref_squeeze %dma_wait3A_77 : memref<1x200x64xf32, #tpu.memory_space<vmem>> -> memref<200x64xf32, #tpu.memory_space<vmem>>
      %dma_wait3A_79 = arith.constant 0 : i32
      %dma_wait3A_80 = tpu.memref_slice %arg2[%mul3A_75, %dma_wait3A_79] : memref<1000000x64xf32, #tpu.memory_space<hbm>> -> memref<200x64xf32, #tpu.memory_space<hbm>>
      %dma_wait3A_81 = tpu.memref_slice %arg5[%rem3A_70] : memref<4x!tpu.dma_semaphore, #tpu.memory_space<semaphore_mem>> -> memref<1x!tpu.dma_semaphore, #tpu.memory_space<semaphore_mem>>
      %dma_wait3A_82 = tpu.memref_squeeze %dma_wait3A_81 : memref<1x!tpu.dma_semaphore, #tpu.memory_space<semaphore_mem>> -> memref<!tpu.dma_semaphore, #tpu.memory_space<semaphore_mem>>
      %dma_wait3A_83 = arith.constant 0 : i32
      %dma_wait3A_84 = arith.constant 0 : i32
      %dma_wait3A_85 = tpu.memref_slice %arg4[%rem3A_70, %dma_wait3A_83, %dma_wait3A_84] : memref<4x200x64xf32, #tpu.memory_space<vmem>> -> memref<1x200x64xf32, #tpu.memory_space<vmem>>
      %dma_wait3A_86 = tpu.memref_squeeze %dma_wait3A_85 : memref<1x200x64xf32, #tpu.memory_space<vmem>> -> memref<200x64xf32, #tpu.memory_space<vmem>>
      %dma_wait3A_87 = arith.constant 0 : i32
      %dma_wait3A_88 = tpu.memref_slice %arg2[%mul3A_75, %dma_wait3A_87] : memref<1000000x64xf32, #tpu.memory_space<hbm>> -> memref<200x64xf32, #tpu.memory_space<hbm>>
      tpu.wait_dma2 semaphore(%dma_wait3A_82 : memref<!tpu.dma_semaphore, #tpu.memory_space<semaphore_mem>>) src(%dma_wait3A_88 : memref<200x64xf32, #tpu.memory_space<hbm>>) dst(%dma_wait3A_86 : memref<200x64xf32, #tpu.memory_space<vmem>>)
      %eq3A = arith.constant 0 : i32
      %eq3A_89 = arith.cmpi eq, %add3A, %eq3A : i32
      %eq3A_90 = arith.constant 0 : i32
      %eq3A_91 = arith.cmpi eq, %while3A_56, %eq3A_90 : i32
      %and3A_92 = arith.andi %eq3A_89, %eq3A_91 : i1
      %convert_element_type3A_93 = arith.extui %and3A_92 : i1 to i32
      %cond3A_94 = arith.constant 0 : i32
      %cond3A_95 = arith.cmpi ne, %convert_element_type3A_93, %cond3A_94 : i32
      scf.if %cond3A_95 {
        %broadcast_in_dim3A = arith.constant 1.000000e+00 : f32
        %broadcast_in_dim3A_116 = vector.broadcast %broadcast_in_dim3A : f32 to vector<16xf32>
        %swap3A = arith.constant 0 : i32
        %swap3A_117 = arith.constant 0 : i32
        %swap3A_118 = arith.index_cast %swap3A : i32 to index
        %swap3A_119 = arith.index_cast %swap3A_117 : i32 to index
        %swap3A_120 = arith.constant 0 : index
        %swap3A_121 = tpu.vector_load %arg4[%swap3A_118, %swap3A_119, %swap3A_120] {strides = array<i32>} : memref<4x200x64xf32, #tpu.memory_space<vmem>>, vector<1x1x16xf32>,
        %swap3A_122 = vector.shape_cast %swap3A_121 : vector<1x1x16xf32> to vector<16xf32>
        %swap3A_123 = vector.shape_cast %broadcast_in_dim3A_116 : vector<16xf32> to vector<1x1x16xf32>
        tpu.vector_store %arg4[%swap3A_118, %swap3A_119, %swap3A_120], %swap3A_123 {strides = array<i32>} : memref<4x200x64xf32, #tpu.memory_space<vmem>>, vector<1x1x16xf32>,
        %swap3A_124 = arith.constant 0 : i32
        %swap3A_125 = arith.constant 0 : i32
        %swap3A_126 = arith.index_cast %swap3A_124 : i32 to index
        %swap3A_127 = arith.index_cast %swap3A_125 : i32 to index
        %swap3A_128 = arith.constant 16 : index
        %swap3A_129 = tpu.vector_load %arg4[%swap3A_126, %swap3A_127, %swap3A_128] {strides = array<i32>} : memref<4x200x64xf32, #tpu.memory_space<vmem>>, vector<1x1x16xf32>,
        %swap3A_130 = vector.shape_cast %swap3A_129 : vector<1x1x16xf32> to vector<16xf32>
        %swap3A_131 = vector.shape_cast %broadcast_in_dim3A_116 : vector<16xf32> to vector<1x1x16xf32>
        tpu.vector_store %arg4[%swap3A_126, %swap3A_127, %swap3A_128], %swap3A_131 {strides = array<i32>} : memref<4x200x64xf32, #tpu.memory_space<vmem>>, vector<1x1x16xf32>,
        %swap3A_132 = arith.constant 0 : i32
        %swap3A_133 = arith.constant 0 : i32
        %swap3A_134 = arith.index_cast %swap3A_132 : i32 to index
        %swap3A_135 = arith.index_cast %swap3A_133 : i32 to index
        %swap3A_136 = arith.constant 32 : index
        %swap3A_137 = tpu.vector_load %arg4[%swap3A_134, %swap3A_135, %swap3A_136] {strides = array<i32>} : memref<4x200x64xf32, #tpu.memory_space<vmem>>, vector<1x1x16xf32>,
        %swap3A_138 = vector.shape_cast %swap3A_137 : vector<1x1x16xf32> to vector<16xf32>
        %swap3A_139 = vector.shape_cast %broadcast_in_dim3A_116 : vector<16xf32> to vector<1x1x16xf32>
        tpu.vector_store %arg4[%swap3A_134, %swap3A_135, %swap3A_136], %swap3A_139 {strides = array<i32>} : memref<4x200x64xf32, #tpu.memory_space<vmem>>, vector<1x1x16xf32>,
        %swap3A_140 = arith.constant 0 : i32
        %swap3A_141 = arith.constant 0 : i32
        %swap3A_142 = arith.index_cast %swap3A_140 : i32 to index
        %swap3A_143 = arith.index_cast %swap3A_141 : i32 to index
        %swap3A_144 = arith.constant 48 : index
        %swap3A_145 = tpu.vector_load %arg4[%swap3A_142, %swap3A_143, %swap3A_144] {strides = array<i32>} : memref<4x200x64xf32, #tpu.memory_space<vmem>>, vector<1x1x16xf32>,
        %swap3A_146 = vector.shape_cast %swap3A_145 : vector<1x1x16xf32> to vector<16xf32>
        %swap3A_147 = vector.shape_cast %broadcast_in_dim3A_116 : vector<16xf32> to vector<1x1x16xf32>
        tpu.vector_store %arg4[%swap3A_142, %swap3A_143, %swap3A_144], %swap3A_147 {strides = array<i32>} : memref<4x200x64xf32, #tpu.memory_space<vmem>>, vector<1x1x16xf32>,
        %swap3A_148 = arith.constant 0 : i32
        %swap3A_149 = arith.constant 1 : i32
        %swap3A_150 = arith.index_cast %swap3A_148 : i32 to index
        %swap3A_151 = arith.index_cast %swap3A_149 : i32 to index
        %swap3A_152 = arith.constant 0 : index
        %swap3A_153 = tpu.vector_load %arg4[%swap3A_150, %swap3A_151, %swap3A_152] {strides = array<i32>} : memref<4x200x64xf32, #tpu.memory_space<vmem>>, vector<1x1x16xf32>,
        %swap3A_154 = vector.shape_cast %swap3A_153 : vector<1x1x16xf32> to vector<16xf32>
        %swap3A_155 = vector.shape_cast %broadcast_in_dim3A_116 : vector<16xf32> to vector<1x1x16xf32>
        tpu.vector_store %arg4[%swap3A_150, %swap3A_151, %swap3A_152], %swap3A_155 {strides = array<i32>} : memref<4x200x64xf32, #tpu.memory_space<vmem>>, vector<1x1x16xf32>,
        %swap3A_156 = arith.constant 0 : i32
        %swap3A_157 = arith.constant 1 : i32
        %swap3A_158 = arith.index_cast %swap3A_156 : i32 to index
        %swap3A_159 = arith.index_cast %swap3A_157 : i32 to index
        %swap3A_160 = arith.constant 16 : index
        %swap3A_161 = tpu.vector_load %arg4[%swap3A_158, %swap3A_159, %swap3A_160] {strides = array<i32>} : memref<4x200x64xf32, #tpu.memory_space<vmem>>, vector<1x1x16xf32>,
        %swap3A_162 = vector.shape_cast %swap3A_161 : vector<1x1x16xf32> to vector<16xf32>
        %swap3A_163 = vector.shape_cast %broadcast_in_dim3A_116 : vector<16xf32> to vector<1x1x16xf32>
        tpu.vector_store %arg4[%swap3A_158, %swap3A_159, %swap3A_160], %swap3A_163 {strides = array<i32>} : memref<4x200x64xf32, #tpu.memory_space<vmem>>, vector<1x1x16xf32>,
        %swap3A_164 = arith.constant 0 : i32
        %swap3A_165 = arith.constant 1 : i32
        %swap3A_166 = arith.index_cast %swap3A_164 : i32 to index
        %swap3A_167 = arith.index_cast %swap3A_165 : i32 to index
        %swap3A_168 = arith.constant 32 : index
        %swap3A_169 = tpu.vector_load %arg4[%swap3A_166, %swap3A_167, %swap3A_168] {strides = array<i32>} : memref<4x200x64xf32, #tpu.memory_space<vmem>>, vector<1x1x16xf32>,
        %swap3A_170 = vector.shape_cast %swap3A_169 : vector<1x1x16xf32> to vector<16xf32>
        %swap3A_171 = vector.shape_cast %broadcast_in_dim3A_116 : vector<16xf32> to vector<1x1x16xf32>
        tpu.vector_store %arg4[%swap3A_166, %swap3A_167, %swap3A_168], %swap3A_171 {strides = array<i32>} : memref<4x200x64xf32, #tpu.memory_space<vmem>>, vector<1x1x16xf32>,
        %swap3A_172 = arith.constant 0 : i32
        %swap3A_173 = arith.constant 1 : i32
        %swap3A_174 = arith.index_cast %swap3A_172 : i32 to index
        %swap3A_175 = arith.index_cast %swap3A_173 : i32 to index
        %swap3A_176 = arith.constant 48 : index
        %swap3A_177 = tpu.vector_load %arg4[%swap3A_174, %swap3A_175, %swap3A_176] {strides = array<i32>} : memref<4x200x64xf32, #tpu.memory_space<vmem>>, vector<1x1x16xf32>,
        %swap3A_178 = vector.shape_cast %swap3A_177 : vector<1x1x16xf32> to vector<16xf32>
        %swap3A_179 = vector.shape_cast %broadcast_in_dim3A_116 : vector<16xf32> to vector<1x1x16xf32>
        tpu.vector_store %arg4[%swap3A_174, %swap3A_175, %swap3A_176], %swap3A_179 {strides = array<i32>} : memref<4x200x64xf32, #tpu.memory_space<vmem>>, vector<1x1x16xf32>,
      } else {
      }
      %rem3A_96 = arith.constant 4 : i32
      %rem3A_97 = arith.remsi %while3A_56, %rem3A_96 : i32
      %mul3A_98 = arith.constant 32 : i32
      %mul3A_99 = arith.muli %while3A_56, %mul3A_98 : i32
      %add3A_100 = arith.addi %add3A, %mul3A_99 : i32
      %mul3A_101 = arith.constant 200 : i32
      %mul3A_102 = arith.muli %add3A_100, %mul3A_101 : i32
      %dma_start3A = arith.constant 0 : i32
      %dma_start3A_103 = arith.constant 0 : i32
      %dma_start3A_104 = tpu.memref_slice %arg4[%rem3A_97, %dma_start3A, %dma_start3A_103] : memref<4x200x64xf32, #tpu.memory_space<vmem>> -> memref<1x200x64xf32, #tpu.memory_space<vmem>>
      %dma_start3A_105 = tpu.memref_squeeze %dma_start3A_104 : memref<1x200x64xf32, #tpu.memory_space<vmem>> -> memref<200x64xf32, #tpu.memory_space<vmem>>
      %dma_start3A_106 = arith.constant 0 : i32
      %dma_start3A_107 = tpu.memref_slice %arg3[%mul3A_102, %dma_start3A_106] : memref<1000000x64xf32, #tpu.memory_space<hbm>> -> memref<200x64xf32, #tpu.memory_space<hbm>>
      %dma_start3A_108 = tpu.memref_slice %arg6[%rem3A_97] : memref<4x!tpu.dma_semaphore, #tpu.memory_space<semaphore_mem>> -> memref<1x!tpu.dma_semaphore, #tpu.memory_space<semaphore_mem>>
      %dma_start3A_109 = tpu.memref_squeeze %dma_start3A_108 : memref<1x!tpu.dma_semaphore, #tpu.memory_space<semaphore_mem>> -> memref<!tpu.dma_semaphore, #tpu.memory_space<semaphore_mem>>
      %dma_start3A_110 = arith.constant 0 : i32
      %dma_start3A_111 = tpu.memref_slice %arg3[%mul3A_102, %dma_start3A_110] : memref<1000000x64xf32, #tpu.memory_space<hbm>> -> memref<200x64xf32, #tpu.memory_space<hbm>>
      %dma_start3A_112 = arith.constant 0 : i32
      %dma_start3A_113 = arith.constant 0 : i32
      %dma_start3A_114 = tpu.memref_slice %arg4[%rem3A_97, %dma_start3A_112, %dma_start3A_113] : memref<4x200x64xf32, #tpu.memory_space<vmem>> -> memref<1x200x64xf32, #tpu.memory_space<vmem>>
      %dma_start3A_115 = tpu.memref_squeeze %dma_start3A_114 : memref<1x200x64xf32, #tpu.memory_space<vmem>> -> memref<200x64xf32, #tpu.memory_space<vmem>>
      tpu.enqueue_dma source(%dma_start3A_115 : memref<200x64xf32, #tpu.memory_space<vmem>>) target(%dma_start3A_111 : memref<200x64xf32, #tpu.memory_space<hbm>>) target_semaphore(%dma_start3A_109 : memref<!tpu.dma_semaphore, #tpu.memory_space<semaphore_mem>>)
    }
    %sub3A_39 = arith.constant 2 : i32
    %sub3A_40 = arith.subi %select_n3A, %sub3A_39 : i32
    %add3A_41 = arith.constant 0 : i32
    %add3A_42 = arith.addi %sub3A_40, %add3A_41 : i32
    %ge3A = arith.constant 0 : i32
    %ge3A_43 = arith.cmpi sge, %add3A_42, %ge3A : i32
    %convert_element_type3A_44 = arith.extui %ge3A_43 : i1 to i32
    %cond3A_45 = arith.constant 0 : i32
    %cond3A_46 = arith.cmpi ne, %convert_element_type3A_44, %cond3A_45 : i32
    scf.if %cond3A_46 {
      %sub3A_56 = arith.constant 2 : i32
      %sub3A_57 = arith.subi %select_n3A, %sub3A_56 : i32
      %add3A_58 = arith.constant 0 : i32
      %add3A_59 = arith.addi %sub3A_57, %add3A_58 : i32
      %rem3A_60 = arith.constant 4 : i32
      %rem3A_61 = arith.remsi %add3A_59, %rem3A_60 : i32
      %mul3A_62 = arith.constant 32 : i32
      %mul3A_63 = arith.muli %add3A_59, %mul3A_62 : i32
      %add3A_64 = arith.addi %add3A, %mul3A_63 : i32
      %mul3A_65 = arith.constant 200 : i32
      %mul3A_66 = arith.muli %add3A_64, %mul3A_65 : i32
      %dma_wait3A = arith.constant 0 : i32
      %dma_wait3A_67 = arith.constant 0 : i32
      %dma_wait3A_68 = tpu.memref_slice %arg4[%rem3A_61, %dma_wait3A, %dma_wait3A_67] : memref<4x200x64xf32, #tpu.memory_space<vmem>> -> memref<1x200x64xf32, #tpu.memory_space<vmem>>
      %dma_wait3A_69 = tpu.memref_squeeze %dma_wait3A_68 : memref<1x200x64xf32, #tpu.memory_space<vmem>> -> memref<200x64xf32, #tpu.memory_space<vmem>>
      %dma_wait3A_70 = arith.constant 0 : i32
      %dma_wait3A_71 = tpu.memref_slice %arg3[%mul3A_66, %dma_wait3A_70] : memref<1000000x64xf32, #tpu.memory_space<hbm>> -> memref<200x64xf32, #tpu.memory_space<hbm>>
      %dma_wait3A_72 = tpu.memref_slice %arg6[%rem3A_61] : memref<4x!tpu.dma_semaphore, #tpu.memory_space<semaphore_mem>> -> memref<1x!tpu.dma_semaphore, #tpu.memory_space<semaphore_mem>>
      %dma_wait3A_73 = tpu.memref_squeeze %dma_wait3A_72 : memref<1x!tpu.dma_semaphore, #tpu.memory_space<semaphore_mem>> -> memref<!tpu.dma_semaphore, #tpu.memory_space<semaphore_mem>>
      %dma_wait3A_74 = arith.constant 0 : i32
      %dma_wait3A_75 = tpu.memref_slice %arg3[%mul3A_66, %dma_wait3A_74] : memref<1000000x64xf32, #tpu.memory_space<hbm>> -> memref<200x64xf32, #tpu.memory_space<hbm>>
      %dma_wait3A_76 = arith.constant 0 : i32
      %dma_wait3A_77 = arith.constant 0 : i32
      %dma_wait3A_78 = tpu.memref_slice %arg4[%rem3A_61, %dma_wait3A_76, %dma_wait3A_77] : memref<4x200x64xf32, #tpu.memory_space<vmem>> -> memref<1x200x64xf32, #tpu.memory_space<vmem>>
      %dma_wait3A_79 = tpu.memref_squeeze %dma_wait3A_78 : memref<1x200x64xf32, #tpu.memory_space<vmem>> -> memref<200x64xf32, #tpu.memory_space<vmem>>
      tpu.wait_dma2 semaphore(%dma_wait3A_73 : memref<!tpu.dma_semaphore, #tpu.memory_space<semaphore_mem>>) src(%dma_wait3A_79 : memref<200x64xf32, #tpu.memory_space<vmem>>) dst(%dma_wait3A_75 : memref<200x64xf32, #tpu.memory_space<hbm>>)
    } else {
    }
    %sub3A_47 = arith.constant 2 : i32
    %sub3A_48 = arith.subi %select_n3A, %sub3A_47 : i32
    %add3A_49 = arith.constant 1 : i32
    %add3A_50 = arith.addi %sub3A_48, %add3A_49 : i32
    %ge3A_51 = arith.constant 0 : i32
    %ge3A_52 = arith.cmpi sge, %add3A_50, %ge3A_51 : i32
    %convert_element_type3A_53 = arith.extui %ge3A_52 : i1 to i32
    %cond3A_54 = arith.constant 0 : i32
    %cond3A_55 = arith.cmpi ne, %convert_element_type3A_53, %cond3A_54 : i32
    scf.if %cond3A_55 {
      %sub3A_56 = arith.constant 2 : i32
      %sub3A_57 = arith.subi %select_n3A, %sub3A_56 : i32
      %add3A_58 = arith.constant 1 : i32
      %add3A_59 = arith.addi %sub3A_57, %add3A_58 : i32
      %rem3A_60 = arith.constant 4 : i32
      %rem3A_61 = arith.remsi %add3A_59, %rem3A_60 : i32
      %mul3A_62 = arith.constant 32 : i32
      %mul3A_63 = arith.muli %add3A_59, %mul3A_62 : i32
      %add3A_64 = arith.addi %add3A, %mul3A_63 : i32
      %mul3A_65 = arith.constant 200 : i32
      %mul3A_66 = arith.muli %add3A_64, %mul3A_65 : i32
      %dma_wait3A = arith.constant 0 : i32
      %dma_wait3A_67 = arith.constant 0 : i32
      %dma_wait3A_68 = tpu.memref_slice %arg4[%rem3A_61, %dma_wait3A, %dma_wait3A_67] : memref<4x200x64xf32, #tpu.memory_space<vmem>> -> memref<1x200x64xf32, #tpu.memory_space<vmem>>
      %dma_wait3A_69 = tpu.memref_squeeze %dma_wait3A_68 : memref<1x200x64xf32, #tpu.memory_space<vmem>> -> memref<200x64xf32, #tpu.memory_space<vmem>>
      %dma_wait3A_70 = arith.constant 0 : i32
      %dma_wait3A_71 = tpu.memref_slice %arg3[%mul3A_66, %dma_wait3A_70] : memref<1000000x64xf32, #tpu.memory_space<hbm>> -> memref<200x64xf32, #tpu.memory_space<hbm>>
      %dma_wait3A_72 = tpu.memref_slice %arg6[%rem3A_61] : memref<4x!tpu.dma_semaphore, #tpu.memory_space<semaphore_mem>> -> memref<1x!tpu.dma_semaphore, #tpu.memory_space<semaphore_mem>>
      %dma_wait3A_73 = tpu.memref_squeeze %dma_wait3A_72 : memref<1x!tpu.dma_semaphore, #tpu.memory_space<semaphore_mem>> -> memref<!tpu.dma_semaphore, #tpu.memory_space<semaphore_mem>>
      %dma_wait3A_74 = arith.constant 0 : i32
      %dma_wait3A_75 = tpu.memref_slice %arg3[%mul3A_66, %dma_wait3A_74] : memref<1000000x64xf32, #tpu.memory_space<hbm>> -> memref<200x64xf32, #tpu.memory_space<hbm>>
      %dma_wait3A_76 = arith.constant 0 : i32
      %dma_wait3A_77 = arith.constant 0 : i32
      %dma_wait3A_78 = tpu.memref_slice %arg4[%rem3A_61, %dma_wait3A_76, %dma_wait3A_77] : memref<4x200x64xf32, #tpu.memory_space<vmem>> -> memref<1x200x64xf32, #tpu.memory_space<vmem>>
      %dma_wait3A_79 = tpu.memref_squeeze %dma_wait3A_78 : memref<1x200x64xf32, #tpu.memory_space<vmem>> -> memref<200x64xf32, #tpu.memory_space<vmem>>
      tpu.wait_dma2 semaphore(%dma_wait3A_73 : memref<!tpu.dma_semaphore, #tpu.memory_space<semaphore_mem>>) src(%dma_wait3A_79 : memref<200x64xf32, #tpu.memory_space<vmem>>) dst(%dma_wait3A_75 : memref<200x64xf32, #tpu.memory_space<hbm>>)
    } else {
    }
    return
  }
}

</mosaic_0001>

<sc_bundles>
// kernel: kernel.3.cloned.1.call-start
scs
__scs_entry_jumppad:
0x0: {  	(pc) =	sbr.rel $0x88, $3  }
0x1: {  	(tag) =	ssettag $0x0;
	lr =	simm.s32 $0x1  }
0x2: {  	[smem:$0x3FA0] =	sst lr;
	_ =	strace $0xD0000000  }
0x3: {  	_ = 	snop  }
0x4: {  	_ = 	snop  }
0x5: {  	_ = 	snop  }
0x6: {  	_ = 	snop  }
0x7: {  	_ = 	snop  }
__scs_overlays_trampoline_lowered:
0x8: {  	[smem:$0x3FAF] =	sst s0  }
0x9: {  	[smem:$0x3FB0] =	sst s1  }
0xa: {  	[smem:$0x3FB1] =	sst s2  }
0xb: {  	[smem:$0x3FB2] =	sst s3  }
0xc: {  	[smem:$0x3FB3] =	sst s4  }
0xd: {  	[smem:$0x3FB4] =	sst s5  }
0xe: {  	[smem:$0x3FB5] =	sst s6  }
0xf: {  	[smem:$0x3FB6] =	sst s7  }
0x10: {  	[smem:$0x3FB7] =	sst s8  }
0x11: {  	[smem:$0x3FB8] =	sst s9;
	s0 =	simm.s32 @!p0 $0x0  }
0x12: {  	s1 =	sld [smem:$0x3F9E];
	s0 =	simm.s32 @p0 $0x1  }
0x13: {  	[smem:$0x3FB9] =	sst s0;
	s0 =	simm.s32 @!p1 $0x0  }
0x14: {  	s2 =	sld [smem:$0x3F9D];
	s0 =	simm.s32 @p1 $0x1  }
0x15: {  	[smem:$0x3FBA] =	sst s0;
	s0 =	simm.s32 @!p2 $0x0  }
0x16: {  	s3 =	sld [smem:$0x3FDB];
	s0 =	simm.s32 @p2 $0x1  }
0x17: {  	s4 =	simm.s32 $0x1BF5;
	[smem:$0x3FBC] =	sst s0  }
0x18: {  	s0 =	sld [smem:$0x3F9F];
	_ =	swait.ge [sflag:s4], $0x0  }
0x19: {  	s7 =	sld [smem:$0x3FA0]  }
0x1a: {  	s8 =	sadd.s32 $0xFFFFE003, lr  }
0x1b: {  	s9 =	sadd.s32 $0xFFFFFEF7, lr;
	s5 =	simm.s32 $0xFFFFFFFF;
	p2 =	slt.u32 s8, $0xFFFFF086  }
0x1c: {  	p1 =	slt.u32 s9, $0xF7A;
	s5 =	simm.s32 @!p2 $0x0  }
0x1d: {  	s5 =	simm.s32 @p1 $0x1;
	p0 =	seq.s32 s7, s2  }
0x1e: {  	s7 =	smul.u32 @!p0 $0xF7A, s2;
	p2 =	seq.s32 @!p0 s5, $0x0  }
0x1f: {  	s9 =	smul.u32 $0xF7A, s1;
	s8 =	simm.s32 @!p0 $0x1BF5;
	p2 =	por !p2, p0  }
0x20: {  	[sflag:s8] =	ssyncset.s32 @!p0 $0xFFFFF086;
	s6 =	sadd.s32 @!p0 s3, s7;
	s7 =	simm.s32 @!p0 $0x108  }
0x21: {  	s3 =	sadd.s32 s3, s9;
	s6 =	sadd.s32 @!p0 $0x88, s6;
	s7 =	simm.s32 @p2 $0x1082  }
0x22: {  	[simem:s7], [sflag:s8] =	dma.local @!p0 [hbm:s6], $0xF7A  }
0x23: {  	s9 =	sor.u32 $0xD0000000, s2;
	s6 =	simm.s32 $0x108;
	_ =	swait.ge @!p0 [sflag:s8], $0x0  }
0x24: {  	s3 =	sadd.s32 $0x88, s3;
	s6 =	simm.s32 @!p1 $0x1082;
	[sflag:s4] =	ssyncset.s32 $0xFFFFF086  }
0x25: {  	[simem:s6], [sflag:s4] =	dma.local [hbm:s3], $0xF7A  }
0x26: {  	[smem:$0x3FA0] =	sst s1;
	(tag) =	ssettag s2;
	_ =	strace s9  }
0x27: {  	s1 =	sld [smem:$0x3FB0]  }
0x28: {  	s2 =	sld [smem:$0x3FB1]  }
0x29: {  	s4 =	sld [smem:$0x3FB3]  }
0x2a: {  	p0 =	seq.s32 s5, $0x0;
	s5 =	sld [smem:$0x3FB4]  }
0x2b: {  	s6 =	sld [smem:$0x3FB5]  }
0x2c: {  	s7 =	sld [smem:$0x3FB6]  }
0x2d: {  	s3 =	simm.s32 $0x108;
	s8 =	sld [smem:$0x3FB7]  }
0x2e: {  	s3 =	simm.s32 @!p0 $0x1082;
	s9 =	sld [smem:$0x3FB8]  }
0x2f: {  	lr =	sadd.s32 s0, s3;
	s0 =	sld [smem:$0x3FAF]  }
0x30: {  	s3 =	sld [smem:$0x3FB2]  }
0x31: {  	[smem:$0x3FBB] =	sst s10  }
0x32: {  	s10 =	sld [smem:$0x3FB9];
	_ =	sdelay $0x3  }
0x33: {  	p0 =	seq.s32 s10, $0x1;
	s10 =	sld [smem:$0x3FBB];
	_ =	sdelay $0x3  }
0x34: {  	[smem:$0x3FBB] =	sst s10  }
0x35: {  	s10 =	sld [smem:$0x3FBA];
	_ =	sdelay $0x3  }
0x36: {  	p1 =	seq.s32 s10, $0x1;
	s10 =	sld [smem:$0x3FBB];
	_ =	sdelay $0x3  }
0x37: {  	[smem:$0x3FBB] =	sst s10  }
0x38: {  	s10 =	sld [smem:$0x3FBC]  }
0x39: {  	_ = 	snop;
	(pc) =	sbr.ind lr, $3  }
0x3a: {  	_ = 	snop  }
0x3b: {  	_ = 	snop  }
0x3c: {  	p2 =	seq.s32 s10, $0x1;
	s10 =	sld [smem:$0x3FBB]  }
0x3d: {  	_ =	shalt  }
0x3e: {  	_ =	shalt  }
0x3f: {  	_ =	shalt  }
0x40: {  	_ =	shalt  }
0x41: {  	_ =	shalt  }
0x42: {  	_ =	shalt  }
0x43: {  	_ =	shalt  }
0x44: {  	_ =	shalt  }
0x45: {  	_ =	shalt  }
0x46: {  	_ =	shalt  }
0x47: {  	_ =	shalt  }
0x48: {  	_ =	shalt  }
0x49: {  	_ =	shalt  }
0x4a: {  	_ =	shalt  }
0x4b: {  	_ =	shalt  }
0x4c: {  	_ =	shalt  }
0x4d: {  	_ =	shalt  }
0x4e: {  	_ =	shalt  }
0x4f: {  	_ =	shalt  }
0x50: {  	_ =	shalt  }
0x51: {  	_ =	shalt  }
0x52: {  	_ =	shalt  }
0x53: {  	_ =	shalt  }
0x54: {  	_ =	shalt  }
0x55: {  	_ =	shalt  }
0x56: {  	_ =	shalt  }
0x57: {  	_ =	shalt  }
0x58: {  	_ =	shalt  }
0x59: {  	_ =	shalt  }
0x5a: {  	_ =	shalt  }
0x5b: {  	_ =	shalt  }
0x5c: {  	_ =	shalt  }
0x5d: {  	_ =	shalt  }
0x5e: {  	_ =	shalt  }
0x5f: {  	_ =	shalt  }
0x60: {  	_ =	shalt  }
0x61: {  	_ =	shalt  }
0x62: {  	_ =	shalt  }
0x63: {  	_ =	shalt  }
0x64: {  	_ =	shalt  }
0x65: {  	_ =	shalt  }
0x66: {  	_ =	shalt  }
0x67: {  	_ =	shalt  }
0x68: {  	_ =	shalt  }
0x69: {  	_ =	shalt  }
0x6a: {  	_ =	shalt  }
0x6b: {  	_ =	shalt  }
0x6c: {  	_ =	shalt  }
0x6d: {  	_ =	shalt  }
0x6e: {  	_ =	shalt  }
0x6f: {  	_ =	shalt  }
0x70: {  	_ =	shalt  }
0x71: {  	_ =	shalt  }
0x72: {  	_ =	shalt  }
0x73: {  	_ =	shalt  }
0x74: {  	_ =	shalt  }
0x75: {  	_ =	shalt  }
0x76: {  	_ =	shalt  }
0x77: {  	_ =	shalt  }
0x78: {  	_ =	shalt  }
0x79: {  	_ =	shalt  }
0x7a: {  	_ =	shalt  }
0x7b: {  	_ =	shalt  }
0x7c: {  	_ =	shalt  }
0x7d: {  	_ =	shalt  }
0x7e: {  	_ =	shalt  }
0x7f: {  	_ =	shalt  }
0x80: {  	_ =	shalt  }
0x81: {  	_ =	shalt  }
0x82: {  	_ =	shalt  }
0x83: {  	_ =	shalt  }
0x84: {  	_ =	shalt  }
0x85: {  	_ =	shalt  }
0x86: {  	_ =	shalt  }
0x87: {  	_ =	shalt  }
.Lfunc_end0:
.L_simem_size_0:
called_computation_lowered:
.L_overlay_start_0:
0x88: {  	s2 =	sld [smem:$0x3FD9]  }
0x89: {  	s3 =	sld [smem:$0x3FFE];
	_ =	sdelay $0x1  }
0x8a: {  	s1 =	srdreg.scid  }
0x8b: {  	s0 =	sand.u32 $0x1, s1  }
0x8c: {  	s16 =	sshll.u32 s0, $0xA;
	s2 =	sadd.s32 s3, s2  }
0x8d: {  	s2 =	sadd.s32 s2, s16  }
0x8e: {  	[smem:$0x3FC7] =	sst s2  }
0x8f: {  	_ = 	snop  }
0x90: {  	(tm) =	ssettm $0x1  }
0x91: {  	s17 =	sld [smem:$0x3FFB];
	_ =	sdelay $0x3  }
0x92: {  	_ =	strace s17  }
0x93: {  	s2 =	sld [smem:$0x3FFC];
	_ =	sdelay $0x3  }
0x94: {  	_ =	strace s2  }
0x95: {  	s2 =	sld [smem:$0x3FFD];
	_ =	sdelay $0x3  }
0x96: {  	_ =	strace s2  }
0x97: {  	_ =	strace $0x8FFFFFFF  }
0x98: {  	s18 =	sld [smem:$0x3FDB];
	_ =	sdelay $0x1  }
0x99: {  	s19 =	simm.s32 $_scs_section_size  }
0x9a: {  	s4 =	simm.s32 $_size__tile_overlayer_lowered;
	s5 =	simm.s32 $_tile_overlayer_lowered  }
0x9b: {  	s22 =	simm.s32 $0x1BFF;
	s21 =	sshll.u32 s5, $0x1;
	s2 =	sadd.s32 s19, s18  }
0x9c: {  	s6 =	simm.s32 $0x0;
	s20 =	sshll.u32 s4, $0x1;
	s4 =	sadd.s32 s21, s2  }
0x9d: {  	[timem:s6], [sflag:s22] =	dma.local [hbm:s4], s20  }
0x9e: {  	_ =	swait.ge [sflag:s22], s20  }
0x9f: {  	s3 =	ssub.s32 $0x0, s20;
	[sflag:s22] =	ssyncset.done $0x0  }
0xa0: {  	[sflag:s22] =	ssyncadd.s32 s3;
	_ =	sdelay $0x1  }
0xa1: {  	s23 =	simm.s32 $0x1B8B  }
0xa2: {  	_ =	swait.ge [sflag:s23], $0x1  }
0xa3: {  	[sflag:s23] =	ssyncset.done $0x0  }
0xa4: {  	s25 =	simm.s32 $0x1B8E;
	s24 =	sld [smem:$0x3FFE];
	[sflag:s23] =	ssyncadd.s32 $0xFFFFFFFF  }
0xa5: {  	s26 =	simm.s32 $execute0_lowered;
	[smem:$0x3FD2] =	sst s25  }
0xa6: {  	s4 =	sshll.u32 s26, $0x1;
	_ =	strace $0x80000046;
	[dreg:$0x1] =	wrdreg $0xFFFFFFFF  }
0xa7: {  	s28 =	simm.s32 $_size_execute0_lowered;
	s2 =	sadd.s32 s2, s4;
	[dreg:$0x0] =	wrdreg $0x0  }
0xa8: {  	s4 =	sshll.u32 s28, $0x1;
	[dreg:$0x2] =	wrdreg s2  }
0xa9: {  	[dreg:$0x3] =	wrdreg s4  }
0xaa: {  	[dreg:$0x4] =	wrdreg $0xC0  }
0xab: {  	_ =	task [dreg:s6], $0x5FFFF  }
0xac: {  	[dreg:$0x1] =	wrdreg $0xFFFFFFFF  }
0xad: {  	[dreg:$0x0] =	wrdreg $0x60  }
0xae: {  	[dreg:$0x2] =	wrdreg s24  }
0xaf: {  	[dreg:$0x3] =	wrdreg $0x9  }
0xb0: {  	_ =	task.clear_ibuf [dreg:s6], $0x4FFFF;
	_ =	strace $0x90000046  }
0xb1: {  	s29 =	simm.s32 $0x9;
	_ =	strace $0x80000048  }
0xb2: {  	_ =	swait.ge [sflag:s29], $0x1  }
0xb3: {  	[sflag:s29] =	ssyncadd.s32 $0xFFFFFFFF  }
0xb4: {  	_ =	strace $0x90000048  }
0xb5: {  	_ =	sfence  }
0xb6: {  	s30 =	sld [smem:$0x0];
	_ =	sdelay $0x2  }
0xb7: {  	s31 =	sshll.u32 s1, $0xD;
	s1 =	sshrl.u32 s1, $0x2  }
0xb8: {  	s3 =	sand.u32 $0x4000, s31;
	s1 =	sadd.s32 s1, s30  }
0xb9: {  	s0 =	sor.u32 s3, s0;
	s1 =	sshll.u32 s1, $0x11  }
0xba: {  	s0 =	sor.u32 s1, s0  }
0xbb: {  	s0 =	sadd.s32 $0x8F2B, s0  }
0xbc: {  	[sflag:s0] =	ssyncadd.remote.s32 $0x1  }
0xbd: {  	_ =	sfence.sel $0xFFFF  }
0xbe: {  	[dreg:$0x0] =	wrdreg $0xFFFFFFFF;
	(pc) =	sbr.abs _section_cstart, $3  }
0xbf: {  	[dreg:$0x1] =	wrdreg $0xFFFFFFFF  }
0xc0: {  	_ =	task.clear_ibuf [dreg:s6], $0x2FFFF;
	_ =	strace $0x9FFFFFFF  }
0xc1: {  	(tm) =	ssettm $0x7FFFFFFF  }
tec
execute0_lowered:
.L_overlay_start_1:
0x0: {  	(tag) =	ssettag $0x1  }
0x1: {  	s4 =	rddreg [dreg:$0x0]  }
0x2: {  	s0 =	rddreg [dreg:$0x1];
	s1 =	stileid.u32  }
0x3: {  	s2 =	simm.s32 $0x0;
	s3 =	srdreg.scid;
	s11 =	smul.u32 $0x1900, s1  }
0x4: {  	[smem:$0x7FF] =	sst s2;
	s7 =	sand.u32 $0x1, s3;
	s12 =	smul.u32 $0xC800, s1  }
0x5: {  	s24 =	sshll.u32 s1, $0x1;
	s8 =	sadd.s32 $0x400, s4;
	s14 =	smul.u32 $0x6400, s7  }
0x6: {  	s4 =	sadd.s32 $0xF42800, s4;
	s3 =	sor.u32 s7, s24;
	s30 =	smul.u32 $0xC80, s7  }
0x7: {  	_ =	strace $0x80000047;
	s5 =	ssub.s32 $0x2, s7;
	s9 =	smul.u32 $0x6400, s3  }
0x8: {  	s6 =	sshrl.u32 s5, $0x1;
	s25 =	ssub.s32 $0x13A7, s3;
	s26 =	smul.u32 $0xC80, s3  }
0x9: {  	s15 =	sadd.s32 s11, s8;
	s10 =	ssub.s32 s5, s6;
	s5 =	sshrl.u32 s25, $0x5  }
0xa: {  	s11 =	sadd.s32 s14, s12;
	s31 =	sadd.s32 s30, s15;
	s14 =	simm.s32 $0x0  }
0xb: {  	s9 =	sshrl.u32 s9, $0x3;
	s6 =	sadd.s32 s8, s26;
	s13 =	sadd.s32 $0xFFFFFFFF, s5  }
0xc: {  	s28 =	sand.u32 $0x1, s5;
	s10 =	smax.u32 s10, $0x1;
	s12 =	sadd.s32 $0x32000, s31  }
0xd: {  	s9 =	sadd.s32 s8, s9;
	s29 =	sand.u32 $0x3, s13;
	s8 =	sadd.s32 $0x7, s28  }
0xe: {  	s13 =	simm.s32 $0x6400;
	s7 =	sadd.s32 $0x19000, s9;
	s9 =	sadd.s32 $0x5, s29  }
.LBB2_1:
0xf: {  	[tilespmem:s2], [sflag:$0x1] =	stream.linear.gather [hbm4b:s6+s2], $0x6400, $0x38;
	[tilespmem:$0x19000] =	vst v63  }
0x10: {  	p0 =	por $0x1, $0x1  }
0x11: {  	s15 =	sand.u32 @!p0 $0x3, s2  }
0x12: {  	[tilespmem:s13], [sflag:$0x2] =	stream.linear.gather [hbm4b:s7+s2], $0x6400, $0x38;
	[tilespmem:$0x19000] =	vst v63  }
0x13: {  	s16 =	simm.s32 $0x2;
	p1 =	sle.u32 s5, $0x2;
	s15 =	sxor.u32 @!p0 $0x2, s15  }
0x14: {  	s16 =	sand.u32 @!p1 $0x3, s16;
	s15 =	sadd.s32 @!p0 $0x5, s15  }
0x15: {  	s17 =	smul.u32 @!p1 $0x19000, s16;
	_ =	swait.ge @!p0 [sflag:s15], $0x6400  }
0x16: {  	s19 =	simm.s32 @!p1 $0x0;
	[sflag:s15] =	ssyncset.done @!p0 $0x0  }
0x17: {  	s18 =	sadd.s32 @!p1 $0x1, s16;
	[sflag:s15] =	ssyncadd.s32 @!p0 $0xFFFF9C00;
	s15 =	sshrl.u32 @!p1 s17, $0x2  }
0x18: {  	[tilespmem:s15], [sflag:s18] =	stream.linear.gather @!p1 [hbm4b:s12+s19], $0x6400, $0x38;
	[tilespmem:$0x19000] =	vst v63  }
0x19: {  	s16 =	sand.u32 $0x3, s2;
	p1 =	sne.s32 s5, $0x1  }
.Ltmp0:
0x1a: {  	s30 =	sadd.s32 $0x1, s16;
	(pc) =	sbr.rel @!p1 .LBB2_3-.Ltmp0, $4  }
0x1b: {  	s31 =	sor.u32 s3, s2;
	_ =	swait.ge [sflag:s30], $0x6400  }
0x1c: {  	p0 =	sne.s32 s31, $0x0;
	[sflag:s30] =	ssyncset.done $0x0  }
0x1d: {  	s20 =	smul.u32 $0x19000, s16;
	s17 =	simm.s32 $0x1;
	v0 =	vimm.f32 @!p0 $1.000000000e+00;
	[sflag:s30] =	ssyncadd.s32 $0xFFFF9C00  }
0x1e: {  	s15 =	sshrl.u32 s11, $0x3;
	s18 =	smov.u32 s11;
	s19 =	smov.u32 s12;
	[tilespmem:$0xB0] =	vst @!p0 v0  }
.LBB2_2:
0x1f: {  	s18 =	sadd.s32 $0xC8000, s18  }
0x20: {  	[tilespmem:$0xA0] =	vst @!p0 v0;
	s19 =	sadd.s32 $0x19000, s19;
	s21 =	smov.u32 s17;
	s17 =	sadd.s32 $0x1, s17  }
0x21: {  	s22 =	sshrl.u32 s18, $0x3;
	p1 =	sne.s32 s17, s5;
	[tilespmem:$0x90] =	vst @!p0 v0  }
0x22: {  	[tilespmem:$0x80] =	vst @!p0 v0  }
0x23: {  	s23 =	sadd.s32 s4, s15;
	p2 =	slt.u32 s21, $0x2;
	s15 =	smov.u32 s22;
	[tilespmem:$0x30] =	vst @!p0 v0  }
0x24: {  	s16 =	sadd.s32 $0x5, s16;
	s24 =	sadd.s32 $0x2, s21;
	s22 =	sand.u32 @!p2 $0x3, s21;
	[tilespmem:$0x20] =	vst @!p0 v0  }
0x25: {  	s20 =	sshrl.u32 s20, $0x2;
	p3 =	sge.u32 s24, s5;
	s22 =	sxor.u32 @!p2 $0x2, s22;
	[tilespmem:$0x0] =	vst @!p0 v0  }
0x26: {  	s24 =	sand.u32 @!p3 $0x3, s24;
	s22 =	sadd.s32 @!p2 $0x5, s22;
	[tilespmem:$0x10] =	vst @!p0 v0  }
0x27: {  	[hbm4b:s23+s2] =	stream.linear.scatter [tilespmem:s20], [sflag:s16], $0x6400, $0x38;
	[tilespmem:$0x19000] =	vst v63  }
0x28: {  	s20 =	smul.u32 @!p3 $0x19000, s24;
	s23 =	sadd.s32 @!p3 $0x1, s24;
	_ =	swait.ge @!p2 [sflag:s22], $0x6400  }
0x29: {  	s24 =	simm.s32 @!p3 $0x0;
	s16 =	sand.u32 $0x3, s21;
	[sflag:s22] =	ssyncset.done @!p2 $0x0  }
0x2a: {  	s20 =	sshrl.u32 @!p3 s20, $0x2;
	[sflag:s22] =	ssyncadd.s32 @!p2 $0xFFFF9C00;
	s22 =	sadd.s32 $0x1, s16  }
0x2b: {  	[tilespmem:s20], [sflag:s23] =	stream.linear.gather @!p3 [hbm4b:s19+s24], $0x6400, $0x38;
	[tilespmem:$0x19000] =	vst v63  }
.Ltmp1:
0x2c: {  	_ = 	snop;
	(pc) =	sbr.rel @p1 .LBB2_2-.Ltmp1, $4  }
0x2d: {  	s21 =	sor.u32 s3, s21;
	s20 =	smul.u32 $0x19000, s16;
	_ =	swait.ge [sflag:s22], $0x6400  }
0x2e: {  	p0 =	sne.s32 s21, $0x0;
	[sflag:s22] =	ssyncset.done $0x0  }
0x2f: {  	v0 =	vimm.f32 @!p0 $1.000000000e+00;
	[sflag:s22] =	ssyncadd.s32 $0xFFFF9C00  }
0x30: {  	[tilespmem:$0xB0] =	vst @!p0 v0  }
.LBB2_3:
0x31: {  	[tilespmem:$0xA0] =	vst @!p0 v0  }
0x32: {  	[tilespmem:$0x90] =	vst @!p0 v0  }
0x33: {  	[tilespmem:$0x80] =	vst @!p0 v0  }
0x34: {  	[tilespmem:$0x30] =	vst @!p0 v0  }
0x35: {  	[tilespmem:$0x20] =	vst @!p0 v0  }
0x36: {  	[tilespmem:$0x0] =	vst @!p0 v0;
	s15 =	sadd.s32 s4, s15  }
0x37: {  	s16 =	sadd.s32 $0x5, s16;
	s17 =	sshrl.u32 s20, $0x2;
	[tilespmem:$0x10] =	vst @!p0 v0;
	s14 =	sadd.s32 $0x1, s14  }
0x38: {  	[hbm4b:s15+s2] =	stream.linear.scatter [tilespmem:s17], [sflag:s16], $0x6400, $0x38;
	[tilespmem:$0x19000] =	vst v63  }
0x39: {  	p0 =	sne.s32 s14, s10;
	_ =	swait.ge [sflag:s8], $0x6400  }
.Ltmp2:
0x3a: {  	[sflag:s8] =	ssyncset.done $0x0;
	(pc) =	sbr.rel @p0 .LBB2_1-.Ltmp2, $4  }
0x3b: {  	[sflag:s8] =	ssyncadd.s32 $0xFFFF9C00  }
0x3c: {  	_ =	swait.ge [sflag:s9], $0x6400  }
0x3d: {  	[sflag:s9] =	ssyncset.done $0x0  }
0x3e: {  	[sflag:s9] =	ssyncadd.s32 $0xFFFF9C00  }
0x3f: {  	_ =	sfence.sel $0x180000  }
0x40: {  	[bflag:$0x0] =	sbarrier.arrive $0xFFFF  }
0x41: {  	p0 =	sne.s32 s1, $0x0;
	_ =	strace $0x90000047  }
0x42: {  	s0 =	sadd.s32 @!p0 $0x100000, s0;
	[bflag:$0x2] =	sbarrier.arrive $0xFFFF  }
0x43: {  	[sflag:s0] =	ssyncadd.tile.s32 @!p0 $0x1;
	_ =	shalt  }
.Lfunc_end2:
_tile_overlayer_lowered:
.L_overlay_start_2:
0x44: {  	(tag) =	ssettag $0x2  }
0x45: {  	s0 =	rddreg [dreg:$0x0];
	s2 =	stileid.u32  }
0x46: {  	s1 =	rddreg [dreg:$0x1];
	p0 =	sne.s32 s2, $0x0  }
0x47: {  	s3 =	rddreg [dreg:$0x2];
	[bflag:$0x3] =	sbarrier.arrive $0xFFFF;
	s2 =	simm.s32 @!p0 $0x1C09  }
0x48: {  	[timem:s3], [sflag:s2] =	dma.local @!p0 [hbm:s0], s1  }
0x49: {  	s0 =	simm.s32 @!p0 $0x9  }
0x4a: {  	_ =	swait.ge @!p0 [sflag:s0], s1  }
0x4b: {  	s1 =	ssub.s32 @!p0 $0x0, s1;
	[sflag:s0] =	ssyncset.done @!p0 $0x0  }
0x4c: {  	[sflag:s0] =	ssyncadd.s32 @!p0 s1  }
0x4d: {  	[bflag:$0x3] =	sbarrier.arrive $0xFFFF  }
0x4e: {  	_ =	shalt  }

</sc_bundles>
